<compile_context>
chip_gen: v7x
topology: tpu7x:2x2x1
jax: 0.10.2.dev20260603
libtpu: 0.0.44.dev20260713+nightly
codegen_flags: <defaults>
</compile_context>

<pallas_src>
import functools

import jax
import jax.numpy as jnp
from jax import lax
from jax.experimental import pallas as pl
from jax.experimental.pallas import tpu as pltpu
from jax.experimental.pallas import tpu_sc as plsc

_N = 10000
_D = 128
_E = 320000

_NC = 2
_NS = 16
_NW = _NC * _NS
_EPW = _E // _NW
_CHUNK = 80
_NCHUNK = _EPW // _CHUNK
_RPT = 624
_TAIL = _N - _NS * _RPT


def _sc_agg_body(x_hbm, ei_hbm, ej_hbm, zero_hbm, out_hbm,
                 acc, idx_i, idx_j, rows, sem):
    c = lax.axis_index("c")
    s = lax.axis_index("s")
    wid = s * _NC + c
    base = wid * _EPW
    r0 = s * _RPT

    pltpu.sync_copy(zero_hbm.at[pl.ds(r0, _RPT)], acc.at[pl.ds(r0, _RPT)])

    @pl.when(s == _NS - 1)
    def _():
        pltpu.sync_copy(zero_hbm.at[pl.ds(_NS * _RPT, _TAIL)],
                        acc.at[pl.ds(_NS * _RPT, _TAIL)])

    plsc.subcore_barrier()

    def chunk(t, carry):
        e0 = pl.multiple_of(base + t * _CHUNK, 8)
        pltpu.sync_copy(ej_hbm.at[pl.ds(e0, _CHUNK)], idx_j)
        pltpu.sync_copy(ei_hbm.at[pl.ds(e0, _CHUNK)], idx_i)
        pltpu.async_copy(x_hbm.at[idx_j], rows, sem).wait()
        pltpu.sync_copy(rows, acc.at[idx_i], add=True)
        return carry

    lax.fori_loop(0, _NCHUNK, chunk, 0)
    plsc.subcore_barrier()
    pltpu.sync_copy(acc.at[pl.ds(r0, _RPT)], out_hbm.at[c, pl.ds(r0, _RPT)])

    @pl.when(s == _NS - 1)
    def _():
        pltpu.sync_copy(acc.at[pl.ds(_NS * _RPT, _TAIL)],
                        out_hbm.at[c, pl.ds(_NS * _RPT, _TAIL)])


_sc_aggregate = functools.partial(
    pl.kernel,
    mesh=plsc.VectorSubcoreMesh(core_axis_name="c", subcore_axis_name="s"),
    out_type=jax.ShapeDtypeStruct((_NC, _N, _D), jnp.float32),
    scratch_types=[
        pltpu.VMEM_SHARED((_N, _D), jnp.float32),
        pltpu.VMEM((_CHUNK,), jnp.int32),
        pltpu.VMEM((_CHUNK,), jnp.int32),
        pltpu.VMEM((_CHUNK, _D), jnp.float32),
        pltpu.SemaphoreType.DMA,
    ],
)(_sc_agg_body)


_BLK = 1000


def _tc_mlp_body(scale_ref, x_ref, a0_ref, a1_ref, w1_ref, b1_ref,
                 w2_ref, b2_ref, g_ref, bt_ref, o_ref):
    h = scale_ref[0, 0] * x_ref[...] + a0_ref[...] + a1_ref[...]
    h = lax.dot_general(h, w1_ref[...], (((1,), (1,)), ((), ())),
                        preferred_element_type=jnp.float32) + b1_ref[...]
    h = jnp.maximum(h, 0.0)
    h = lax.dot_general(h, w2_ref[...], (((1,), (1,)), ((), ())),
                        preferred_element_type=jnp.float32) + b2_ref[...]
    mean = jnp.mean(h, axis=1, keepdims=True)
    d = h - mean
    var = jnp.mean(d * d, axis=1, keepdims=True)
    o_ref[...] = d * lax.rsqrt(var + 1e-5) * g_ref[...] + bt_ref[...]


def _tc_mlp(scale, x, a0, a1, w1, b1, w2, b2, gamma, beta):
    row_spec = pl.BlockSpec((_BLK, _D), lambda i: (i, 0))
    full = pl.BlockSpec((_D, _D), lambda i: (0, 0))
    vec = pl.BlockSpec((1, _D), lambda i: (0, 0))
    return pl.pallas_call(
        _tc_mlp_body,
        grid=(_N // _BLK,),
        in_specs=[
            pl.BlockSpec(memory_space=pltpu.SMEM),
            row_spec, row_spec, row_spec,
            full, vec, full, vec, vec, vec,
        ],
        out_specs=row_spec,
        out_shape=jax.ShapeDtypeStruct((_N, _D), jnp.float32),
    )(scale, x, a0, a1, w1, b1, w2, b2, gamma, beta)


def kernel(x, edge_index, eps, W1, b1, W2, b2, gamma, beta):
    ei = edge_index[0]
    ej = edge_index[1]
    zeros = jnp.zeros((_N, _D), jnp.float32)
    agg = _sc_aggregate(x, ei, ej, zeros)
    scale = (1.0 + eps).reshape(1, 1).astype(jnp.float32)
    return _tc_mlp(scale, x, agg[0], agg[1], W1,
                   b1.reshape(1, _D), W2, b2.reshape(1, _D),
                   gamma.reshape(1, _D), beta.reshape(1, _D))

# --- scband reference (transcript-rebuilt; emitter-appended) ---
"""Pipeline reference for scband-ginlayer-2954937499914 (READ-ONLY COPY).

The authoritative reference and input builder live on the scoring server;
editing this copy changes nothing except your own understanding.
"""

import jax, jax.numpy as jnp
import numpy as np

N = 10000
E = 320000
D = 128


def setup_inputs(seed: int = 0) -> dict:
    key = jax.random.key(seed)
    ks = jax.random.split(key, 8)
    x = jax.random.normal(ks[0], (N, D), dtype=jnp.float32)
    edge_index = jax.random.randint(ks[1], (2, E), 0, N, dtype=jnp.int32)
    scale = 1.0 / np.sqrt(D)
    W1 = jax.random.normal(ks[2], (D, D), dtype=jnp.float32) * scale
    b1 = jnp.zeros((D,), dtype=jnp.float32)
    W2 = jax.random.normal(ks[3], (D, D), dtype=jnp.float32) * scale
    b2 = jnp.zeros((D,), dtype=jnp.float32)
    eps = jnp.asarray(0.0, dtype=jnp.float32)
    gamma = jnp.ones((D,), dtype=jnp.float32)
    beta = jnp.zeros((D,), dtype=jnp.float32)
    return {"x": x, "edge_index": edge_index, "eps": eps, "W1": W1, "b1": b1, "W2": W2, "b2": b2, "gamma": gamma, "beta": beta}


def reference(x, edge_index, eps, W1, b1, W2, b2, gamma, beta):
    i = edge_index[0]
    j = edge_index[1]
    # gather neighbor features then scatter-sum into destination nodes
    agg = jnp.zeros_like(x).at[i].add(x[j])
    h = (1.0 + eps) * x + agg
    # MLP: Linear -> ReLU -> Linear (torch Linear: y = h @ W.T + b)
    h = h @ W1.T + b1
    h = jax.nn.relu(h)
    h = h @ W2.T + b2
    # dropout with p=0.0 is identity
    # LayerNorm over last dim (biased variance, eps=1e-5)
    mean = jnp.mean(h, axis=-1, keepdims=True)
    var = jnp.mean((h - mean) ** 2, axis=-1, keepdims=True)
    out = (h - mean) / jnp.sqrt(var + 1e-5) * gamma + beta
    return out

if __name__ == "__main__":
    import jax
    _d = setup_inputs()
    print(jax.jit(kernel)(*tuple(_d.values())))

</pallas_src>

<mosaic_0001>
#map = affine_map<(d0, d1) -> (0, 0)>
#map1 = affine_map<(d0, d1) -> (0)>
#map2 = affine_map<(d0, d1) -> (0, 0, 0)>
module attributes {stable_mosaic.version = 14 : i64} {
  func.func @_sc_agg_body(%arg0: i32, %arg1: i32, %arg2: memref<10000x128xf32, #tpu.memory_space<hbm>>, %arg3: memref<320000xi32, #tpu.memory_space<hbm>>, %arg4: memref<320000xi32, #tpu.memory_space<hbm>>, %arg5: memref<10000x128xf32, #tpu.memory_space<hbm>>, %arg6: memref<2x10000x128xf32, #tpu.memory_space<hbm>>, %arg7: memref<10000x128xf32, #tpu.memory_space<vmem_shared>>, %arg8: memref<80xi32, #tpu.memory_space<vmem>>, %arg9: memref<80xi32, #tpu.memory_space<vmem>>, %arg10: memref<80x128xf32, #tpu.memory_space<vmem>>, %arg11: memref<!tpu.dma_semaphore, #tpu.memory_space<semaphore_mem>>) attributes {dimension_semantics = [#tpu.dimension_semantics<core_parallel>, #tpu.dimension_semantics<subcore_parallel>], iteration_bounds = array<i64: 2, 16>, scalar_prefetch = 0 : i64, scratch_operands = 5 : i64, tpu.core_type = #tpu.core_type<sc_vector_subcore>, window_params = [{transform_indices = #map}, {transform_indices = #map1}, {transform_indices = #map1}, {transform_indices = #map}, {transform_indices = #map2}]} {
    %mul3A = arith.constant 2 : i32
    %mul3A_0 = arith.muli %arg1, %mul3A : i32
    %add3A = arith.addi %mul3A_0, %arg0 : i32
    %mul3A_1 = arith.constant 10000 : i32
    %mul3A_2 = arith.muli %add3A, %mul3A_1 : i32
    %mul3A_3 = arith.constant 624 : i32
    %mul3A_4 = arith.muli %arg1, %mul3A_3 : i32
    "tpu.region"() ({
      %run_scoped3A = tpu.sem_alloc : memref<!tpu.dma_semaphore, #tpu.memory_space<semaphore_mem>>
      %dma_start3A = arith.constant 0 : i32
      %dma_start3A_18 = tpu.memref_slice %arg7[%mul3A_4, %dma_start3A] : memref<10000x128xf32, #tpu.memory_space<vmem_shared>> -> memref<624x128xf32, #tpu.memory_space<vmem_shared>>
      %dma_start3A_19 = arith.constant 0 : i32
      %dma_start3A_20 = tpu.memref_slice %arg5[%mul3A_4, %dma_start3A_19] : memref<10000x128xf32, #tpu.memory_space<hbm>> -> memref<624x128xf32, #tpu.memory_space<hbm>>
      tpu.enqueue_dma source(%dma_start3A_20 : memref<624x128xf32, #tpu.memory_space<hbm>>) target(%dma_start3A_18 : memref<624x128xf32, #tpu.memory_space<vmem_shared>>) target_semaphore(%run_scoped3A : memref<!tpu.dma_semaphore, #tpu.memory_space<semaphore_mem>>)
      %dma_wait3A = arith.constant 0 : i32
      %dma_wait3A_21 = tpu.memref_slice %arg7[%mul3A_4, %dma_wait3A] : memref<10000x128xf32, #tpu.memory_space<vmem_shared>> -> memref<624x128xf32, #tpu.memory_space<vmem_shared>>
      %dma_wait3A_22 = arith.constant 0 : i32
      %dma_wait3A_23 = tpu.memref_slice %arg5[%mul3A_4, %dma_wait3A_22] : memref<10000x128xf32, #tpu.memory_space<hbm>> -> memref<624x128xf32, #tpu.memory_space<hbm>>
      tpu.wait_dma2 semaphore(%run_scoped3A : memref<!tpu.dma_semaphore, #tpu.memory_space<semaphore_mem>>) src(%dma_wait3A_23 : memref<624x128xf32, #tpu.memory_space<hbm>>) dst(%dma_wait3A_21 : memref<624x128xf32, #tpu.memory_space<vmem_shared>>)
      tpu.yield
    }) : () -> ()
    %eq3A = arith.constant 15 : i32
    %eq3A_5 = arith.cmpi eq, %arg1, %eq3A : i32
    %convert_element_type3A = arith.extui %eq3A_5 : i1 to i32
    %cond3A = arith.constant 0 : i32
    %cond3A_6 = arith.cmpi ne, %convert_element_type3A, %cond3A : i32
    scf.if %cond3A_6 {
      "tpu.region"() ({
        %run_scoped3A = tpu.sem_alloc : memref<!tpu.dma_semaphore, #tpu.memory_space<semaphore_mem>>
        %dma_start3A = arith.constant 9984 : i32
        %dma_start3A_18 = arith.constant 0 : i32
        %dma_start3A_19 = tpu.memref_slice %arg7[%dma_start3A, %dma_start3A_18] : memref<10000x128xf32, #tpu.memory_space<vmem_shared>> -> memref<16x128xf32, #tpu.memory_space<vmem_shared>>
        %dma_start3A_20 = arith.constant 9984 : i32
        %dma_start3A_21 = arith.constant 0 : i32
        %dma_start3A_22 = tpu.memref_slice %arg5[%dma_start3A_20, %dma_start3A_21] : memref<10000x128xf32, #tpu.memory_space<hbm>> -> memref<16x128xf32, #tpu.memory_space<hbm>>
        tpu.enqueue_dma source(%dma_start3A_22 : memref<16x128xf32, #tpu.memory_space<hbm>>) target(%dma_start3A_19 : memref<16x128xf32, #tpu.memory_space<vmem_shared>>) target_semaphore(%run_scoped3A : memref<!tpu.dma_semaphore, #tpu.memory_space<semaphore_mem>>)
        %dma_wait3A = arith.constant 9984 : i32
        %dma_wait3A_23 = arith.constant 0 : i32
        %dma_wait3A_24 = tpu.memref_slice %arg7[%dma_wait3A, %dma_wait3A_23] : memref<10000x128xf32, #tpu.memory_space<vmem_shared>> -> memref<16x128xf32, #tpu.memory_space<vmem_shared>>
        %dma_wait3A_25 = arith.constant 9984 : i32
        %dma_wait3A_26 = arith.constant 0 : i32
        %dma_wait3A_27 = tpu.memref_slice %arg5[%dma_wait3A_25, %dma_wait3A_26] : memref<10000x128xf32, #tpu.memory_space<hbm>> -> memref<16x128xf32, #tpu.memory_space<hbm>>
        tpu.wait_dma2 semaphore(%run_scoped3A : memref<!tpu.dma_semaphore, #tpu.memory_space<semaphore_mem>>) src(%dma_wait3A_27 : memref<16x128xf32, #tpu.memory_space<hbm>>) dst(%dma_wait3A_24 : memref<16x128xf32, #tpu.memory_space<vmem_shared>>)
        tpu.yield
      }) : () -> ()
    } else {
    }
    %barrier3A = arith.constant 0 : index
    tpu.barrier barrier_id(%barrier3A)
    %scan3A = arith.constant 0 : i32
    %scan3A_7 = arith.constant 0 : i32
    %scan3A_8 = arith.constant 125 : i32
    %scan3A_9 = arith.addi %scan3A_7, %scan3A_8 : i32
    %scan3A_10 = arith.constant 1 : i32
    scf.for %scan3A_18 = %scan3A_7 to %scan3A_9 step %scan3A_10  : i32 {
      %mul3A_19 = arith.constant 80 : i32
      %mul3A_20 = arith.muli %scan3A_18, %mul3A_19 : i32
      %add3A_21 = arith.addi %mul3A_2, %mul3A_20 : i32
      %multiple_of3A = tpu.assume_multiple %add3A_21, 8 : i32
      "tpu.region"() ({
        %run_scoped3A = tpu.sem_alloc : memref<!tpu.dma_semaphore, #tpu.memory_space<semaphore_mem>>
        %dma_start3A_26 = tpu.memref_slice %arg4[%multiple_of3A] : memref<320000xi32, #tpu.memory_space<hbm>> -> memref<80xi32, #tpu.memory_space<hbm>>
        %dma_start3A_27 = tpu.memref_slice %arg4[%multiple_of3A] : memref<320000xi32, #tpu.memory_space<hbm>> -> memref<80xi32, #tpu.memory_space<hbm>>
        tpu.enqueue_dma source(%dma_start3A_27 : memref<80xi32, #tpu.memory_space<hbm>>) target(%arg9 : memref<80xi32, #tpu.memory_space<vmem>>) target_semaphore(%run_scoped3A : memref<!tpu.dma_semaphore, #tpu.memory_space<semaphore_mem>>)
        %dma_wait3A_28 = tpu.memref_slice %arg4[%multiple_of3A] : memref<320000xi32, #tpu.memory_space<hbm>> -> memref<80xi32, #tpu.memory_space<hbm>>
        %dma_wait3A_29 = tpu.memref_slice %arg4[%multiple_of3A] : memref<320000xi32, #tpu.memory_space<hbm>> -> memref<80xi32, #tpu.memory_space<hbm>>
        tpu.wait_dma2 semaphore(%run_scoped3A : memref<!tpu.dma_semaphore, #tpu.memory_space<semaphore_mem>>) src(%dma_wait3A_29 : memref<80xi32, #tpu.memory_space<hbm>>) dst(%arg9 : memref<80xi32, #tpu.memory_space<vmem>>)
        tpu.yield
      }) : () -> ()
      "tpu.region"() ({
        %run_scoped3A = tpu.sem_alloc : memref<!tpu.dma_semaphore, #tpu.memory_space<semaphore_mem>>
        %dma_start3A_26 = tpu.memref_slice %arg3[%multiple_of3A] : memref<320000xi32, #tpu.memory_space<hbm>> -> memref<80xi32, #tpu.memory_space<hbm>>
        %dma_start3A_27 = tpu.memref_slice %arg3[%multiple_of3A] : memref<320000xi32, #tpu.memory_space<hbm>> -> memref<80xi32, #tpu.memory_space<hbm>>
        tpu.enqueue_dma source(%dma_start3A_27 : memref<80xi32, #tpu.memory_space<hbm>>) target(%arg8 : memref<80xi32, #tpu.memory_space<vmem>>) target_semaphore(%run_scoped3A : memref<!tpu.dma_semaphore, #tpu.memory_space<semaphore_mem>>)
        %dma_wait3A_28 = tpu.memref_slice %arg3[%multiple_of3A] : memref<320000xi32, #tpu.memory_space<hbm>> -> memref<80xi32, #tpu.memory_space<hbm>>
        %dma_wait3A_29 = tpu.memref_slice %arg3[%multiple_of3A] : memref<320000xi32, #tpu.memory_space<hbm>> -> memref<80xi32, #tpu.memory_space<hbm>>
        tpu.wait_dma2 semaphore(%run_scoped3A : memref<!tpu.dma_semaphore, #tpu.memory_space<semaphore_mem>>) src(%dma_wait3A_29 : memref<80xi32, #tpu.memory_space<hbm>>) dst(%arg8 : memref<80xi32, #tpu.memory_space<vmem>>)
        tpu.yield
      }) : () -> ()
      %dma_start3A = arith.constant 0 : i32
      %dma_start3A_22 = arith.constant 0 : i32
      %dma_start3A_23 = tpu.memref_slice %arg2[%dma_start3A, %dma_start3A_22] : memref<10000x128xf32, #tpu.memory_space<hbm>> -> memref<10000x128xf32, #tpu.memory_space<hbm>>
      tpu.enqueue_indirect_dma source(%dma_start3A_23 : memref<10000x128xf32, #tpu.memory_space<hbm>>) target(%arg10 : memref<80x128xf32, #tpu.memory_space<vmem>>) offsets(%arg9 : memref<80xi32, #tpu.memory_space<vmem>>) semaphore(%arg11 : memref<!tpu.dma_semaphore, #tpu.memory_space<semaphore_mem>>)
      %dma_wait3A = arith.constant 0 : i32
      %dma_wait3A_24 = arith.constant 0 : i32
      %dma_wait3A_25 = tpu.memref_slice %arg2[%dma_wait3A, %dma_wait3A_24] : memref<10000x128xf32, #tpu.memory_space<hbm>> -> memref<10000x128xf32, #tpu.memory_space<hbm>>
      tpu.wait_indirect_dma semaphore(%arg11 : memref<!tpu.dma_semaphore, #tpu.memory_space<semaphore_mem>>) src(%dma_wait3A_25 : memref<10000x128xf32, #tpu.memory_space<hbm>>) dst(%arg10 : memref<80x128xf32, #tpu.memory_space<vmem>>)
      "tpu.region"() ({
        %run_scoped3A = tpu.sem_alloc : memref<!tpu.dma_semaphore, #tpu.memory_space<semaphore_mem>>
        %dma_start3A_26 = arith.constant 0 : i32
        %dma_start3A_27 = arith.constant 0 : i32
        %dma_start3A_28 = tpu.memref_slice %arg7[%dma_start3A_26, %dma_start3A_27] : memref<10000x128xf32, #tpu.memory_space<vmem_shared>> -> memref<10000x128xf32, #tpu.memory_space<vmem_shared>>
        tpu.enqueue_indirect_dma source(%arg10 : memref<80x128xf32, #tpu.memory_space<vmem>>) target(%dma_start3A_28 : memref<10000x128xf32, #tpu.memory_space<vmem_shared>>) offsets(%arg8 : memref<80xi32, #tpu.memory_space<vmem>>) semaphore(%run_scoped3A : memref<!tpu.dma_semaphore, #tpu.memory_space<semaphore_mem>>) {add = true}
        %dma_wait3A_29 = arith.constant 0 : i32
        %dma_wait3A_30 = arith.constant 0 : i32
        %dma_wait3A_31 = tpu.memref_slice %arg7[%dma_wait3A_29, %dma_wait3A_30] : memref<10000x128xf32, #tpu.memory_space<vmem_shared>> -> memref<10000x128xf32, #tpu.memory_space<vmem_shared>>
        tpu.wait_indirect_dma semaphore(%run_scoped3A : memref<!tpu.dma_semaphore, #tpu.memory_space<semaphore_mem>>) src(%arg10 : memref<80x128xf32, #tpu.memory_space<vmem>>) dst(%dma_wait3A_31 : memref<10000x128xf32, #tpu.memory_space<vmem_shared>>)
        tpu.yield
      }) : () -> ()
    }
    %scan3A_11 = arith.constant 125 : i32
    %barrier3A_12 = arith.constant 0 : index
    tpu.barrier barrier_id(%barrier3A_12)
    "tpu.region"() ({
      %run_scoped3A = tpu.sem_alloc : memref<!tpu.dma_semaphore, #tpu.memory_space<semaphore_mem>>
      %dma_start3A = arith.constant 0 : i32
      %dma_start3A_18 = tpu.memref_slice %arg6[%arg0, %mul3A_4, %dma_start3A] : memref<2x10000x128xf32, #tpu.memory_space<hbm>> -> memref<1x624x128xf32, #tpu.memory_space<hbm>>
      %dma_start3A_19 = tpu.memref_squeeze %dma_start3A_18 : memref<1x624x128xf32, #tpu.memory_space<hbm>> -> memref<624x128xf32, #tpu.memory_space<hbm>>
      %dma_start3A_20 = arith.constant 0 : i32
      %dma_start3A_21 = tpu.memref_slice %arg7[%mul3A_4, %dma_start3A_20] : memref<10000x128xf32, #tpu.memory_space<vmem_shared>> -> memref<624x128xf32, #tpu.memory_space<vmem_shared>>
      tpu.enqueue_dma source(%dma_start3A_21 : memref<624x128xf32, #tpu.memory_space<vmem_shared>>) target(%dma_start3A_19 : memref<624x128xf32, #tpu.memory_space<hbm>>) target_semaphore(%run_scoped3A : memref<!tpu.dma_semaphore, #tpu.memory_space<semaphore_mem>>)
      %dma_wait3A = arith.constant 0 : i32
      %dma_wait3A_22 = tpu.memref_slice %arg6[%arg0, %mul3A_4, %dma_wait3A] : memref<2x10000x128xf32, #tpu.memory_space<hbm>> -> memref<1x624x128xf32, #tpu.memory_space<hbm>>
      %dma_wait3A_23 = tpu.memref_squeeze %dma_wait3A_22 : memref<1x624x128xf32, #tpu.memory_space<hbm>> -> memref<624x128xf32, #tpu.memory_space<hbm>>
      %dma_wait3A_24 = arith.constant 0 : i32
      %dma_wait3A_25 = tpu.memref_slice %arg7[%mul3A_4, %dma_wait3A_24] : memref<10000x128xf32, #tpu.memory_space<vmem_shared>> -> memref<624x128xf32, #tpu.memory_space<vmem_shared>>
      tpu.wait_dma2 semaphore(%run_scoped3A : memref<!tpu.dma_semaphore, #tpu.memory_space<semaphore_mem>>) src(%dma_wait3A_25 : memref<624x128xf32, #tpu.memory_space<vmem_shared>>) dst(%dma_wait3A_23 : memref<624x128xf32, #tpu.memory_space<hbm>>)
      tpu.yield
    }) : () -> ()
    %eq3A_13 = arith.constant 15 : i32
    %eq3A_14 = arith.cmpi eq, %arg1, %eq3A_13 : i32
    %convert_element_type3A_15 = arith.extui %eq3A_14 : i1 to i32
    %cond3A_16 = arith.constant 0 : i32
    %cond3A_17 = arith.cmpi ne, %convert_element_type3A_15, %cond3A_16 : i32
    scf.if %cond3A_17 {
      "tpu.region"() ({
        %run_scoped3A = tpu.sem_alloc : memref<!tpu.dma_semaphore, #tpu.memory_space<semaphore_mem>>
        %dma_start3A = arith.constant 9984 : i32
        %dma_start3A_18 = arith.constant 0 : i32
        %dma_start3A_19 = tpu.memref_slice %arg6[%arg0, %dma_start3A, %dma_start3A_18] : memref<2x10000x128xf32, #tpu.memory_space<hbm>> -> memref<1x16x128xf32, #tpu.memory_space<hbm>>
        %dma_start3A_20 = tpu.memref_squeeze %dma_start3A_19 : memref<1x16x128xf32, #tpu.memory_space<hbm>> -> memref<16x128xf32, #tpu.memory_space<hbm>>
        %dma_start3A_21 = arith.constant 9984 : i32
        %dma_start3A_22 = arith.constant 0 : i32
        %dma_start3A_23 = tpu.memref_slice %arg7[%dma_start3A_21, %dma_start3A_22] : memref<10000x128xf32, #tpu.memory_space<vmem_shared>> -> memref<16x128xf32, #tpu.memory_space<vmem_shared>>
        tpu.enqueue_dma source(%dma_start3A_23 : memref<16x128xf32, #tpu.memory_space<vmem_shared>>) target(%dma_start3A_20 : memref<16x128xf32, #tpu.memory_space<hbm>>) target_semaphore(%run_scoped3A : memref<!tpu.dma_semaphore, #tpu.memory_space<semaphore_mem>>)
        %dma_wait3A = arith.constant 9984 : i32
        %dma_wait3A_24 = arith.constant 0 : i32
        %dma_wait3A_25 = tpu.memref_slice %arg6[%arg0, %dma_wait3A, %dma_wait3A_24] : memref<2x10000x128xf32, #tpu.memory_space<hbm>> -> memref<1x16x128xf32, #tpu.memory_space<hbm>>
        %dma_wait3A_26 = tpu.memref_squeeze %dma_wait3A_25 : memref<1x16x128xf32, #tpu.memory_space<hbm>> -> memref<16x128xf32, #tpu.memory_space<hbm>>
        %dma_wait3A_27 = arith.constant 9984 : i32
        %dma_wait3A_28 = arith.constant 0 : i32
        %dma_wait3A_29 = tpu.memref_slice %arg7[%dma_wait3A_27, %dma_wait3A_28] : memref<10000x128xf32, #tpu.memory_space<vmem_shared>> -> memref<16x128xf32, #tpu.memory_space<vmem_shared>>
        tpu.wait_dma2 semaphore(%run_scoped3A : memref<!tpu.dma_semaphore, #tpu.memory_space<semaphore_mem>>) src(%dma_wait3A_29 : memref<16x128xf32, #tpu.memory_space<vmem_shared>>) dst(%dma_wait3A_26 : memref<16x128xf32, #tpu.memory_space<hbm>>)
        tpu.yield
      }) : () -> ()
    } else {
    }
    return
  }
}

module attributes {stable_mosaic.version = 14 : i64} {
  func.func @_tc_mlp_body(%arg0: i32, %arg1: memref<1x1xf32, #tpu.memory_space<smem>>, %arg2: memref<1000x128xf32, #tpu.memory_space<vmem>>, %arg3: memref<1000x128xf32, #tpu.memory_space<vmem>>, %arg4: memref<1000x128xf32, #tpu.memory_space<vmem>>, %arg5: memref<128x128xf32, #tpu.memory_space<vmem>>, %arg6: memref<1x128xf32, #tpu.memory_space<vmem>>, %arg7: memref<128x128xf32, #tpu.memory_space<vmem>>, %arg8: memref<1x128xf32, #tpu.memory_space<vmem>>, %arg9: memref<1x128xf32, #tpu.memory_space<vmem>>, %arg10: memref<1x128xf32, #tpu.memory_space<vmem>>, %arg11: memref<1000x128xf32, #tpu.memory_space<vmem>>) attributes {dimension_semantics = [#tpu.dimension_semantics<arbitrary>], iteration_bounds = array<i64: 10>, scalar_prefetch = 0 : i64, scratch_operands = 0 : i64, tpu.core_type = #tpu.core_type<tc>, window_params = [{transform_indices = @transform_0, window_bounds = array<i64: 1, 1>}, {transform_indices = @transform_1, window_bounds = array<i64: 1000, 128>}, {transform_indices = @transform_2, window_bounds = array<i64: 1000, 128>}, {transform_indices = @transform_3, window_bounds = array<i64: 1000, 128>}, {pipeline_mode = #tpu.pipeline_mode<synchronous>, transform_indices = @transform_4, window_bounds = array<i64: 128, 128>}, {pipeline_mode = #tpu.pipeline_mode<synchronous>, transform_indices = @transform_5, window_bounds = array<i64: 1, 128>}, {pipeline_mode = #tpu.pipeline_mode<synchronous>, transform_indices = @transform_6, window_bounds = array<i64: 128, 128>}, {pipeline_mode = #tpu.pipeline_mode<synchronous>, transform_indices = @transform_7, window_bounds = array<i64: 1, 128>}, {pipeline_mode = #tpu.pipeline_mode<synchronous>, transform_indices = @transform_8, window_bounds = array<i64: 1, 128>}, {pipeline_mode = #tpu.pipeline_mode<synchronous>, transform_indices = @transform_9, window_bounds = array<i64: 1, 128>}, {transform_indices = @transform_10, window_bounds = array<i64: 1000, 128>}]} {
    %get3A = arith.constant 0 : index
    %get3A_0 = arith.constant 0 : index
    %get3A_1 = memref.load %arg1[%get3A, %get3A_0] : memref<1x1xf32, #tpu.memory_space<smem>>
    %get3A_2 = arith.constant 0 : index
    %get3A_3 = arith.constant 0 : index
    %get3A_4 = vector.load %arg2[%get3A_2, %get3A_3] : memref<1000x128xf32, #tpu.memory_space<vmem>>, vector<1000x128xf32>
    %mul3A = vector.broadcast %get3A_1 : f32 to vector<1000x128xf32>
    %mul3A_5 = arith.mulf %mul3A, %get3A_4 : vector<1000x128xf32>
    %get3A_6 = arith.constant 0 : index
    %get3A_7 = arith.constant 0 : index
    %get3A_8 = vector.load %arg3[%get3A_6, %get3A_7] : memref<1000x128xf32, #tpu.memory_space<vmem>>, vector<1000x128xf32>
    %add3A = arith.addf %mul3A_5, %get3A_8 : vector<1000x128xf32>
    %get3A_9 = arith.constant 0 : index
    %get3A_10 = arith.constant 0 : index
    %get3A_11 = vector.load %arg4[%get3A_9, %get3A_10] : memref<1000x128xf32, #tpu.memory_space<vmem>>, vector<1000x128xf32>
    %add3A_12 = arith.addf %add3A, %get3A_11 : vector<1000x128xf32>
    %get3A_13 = arith.constant 0 : index
    %get3A_14 = arith.constant 0 : index
    %get3A_15 = vector.load %arg5[%get3A_13, %get3A_14] : memref<128x128xf32, #tpu.memory_space<vmem>>, vector<128x128xf32>
    %dot_general3A = arith.constant dense<0.000000e+00> : vector<1000x128xf32>
    %dot_general3A_16 = tpu.matmul %add3A_12, %get3A_15, %dot_general3A {dimension_numbers = #tpu.dot_dimension_numbers<[1], [1], [0], [0], [0, 0, 1, 0], [], []>, transpose_lhs_hint = false} : vector<1000x128xf32>, vector<128x128xf32>, vector<1000x128xf32> -> vector<1000x128xf32>
    %get3A_17 = arith.constant 0 : index
    %get3A_18 = arith.constant 0 : index
    %get3A_19 = vector.load %arg6[%get3A_17, %get3A_18] : memref<1x128xf32, #tpu.memory_space<vmem>>, vector<1x128xf32>
    %add3A_20 = vector.broadcast %get3A_19 : vector<1x128xf32> to vector<1000x128xf32>
    %add3A_21 = arith.addf %dot_general3A_16, %add3A_20 : vector<1000x128xf32>
    %max3A = arith.constant 0.000000e+00 : f32
    %max3A_22 = vector.broadcast %max3A : f32 to vector<1000x128xf32>
    %max3A_23 = arith.maximumf %add3A_21, %max3A_22 : vector<1000x128xf32>
    %get3A_24 = arith.constant 0 : index
    %get3A_25 = arith.constant 0 : index
    %get3A_26 = vector.load %arg7[%get3A_24, %get3A_25] : memref<128x128xf32, #tpu.memory_space<vmem>>, vector<128x128xf32>
    %dot_general3A_27 = arith.constant dense<0.000000e+00> : vector<1000x128xf32>
    %dot_general3A_28 = tpu.matmul %max3A_23, %get3A_26, %dot_general3A_27 {dimension_numbers = #tpu.dot_dimension_numbers<[1], [1], [0], [0], [0, 0, 1, 0], [], []>, transpose_lhs_hint = false} : vector<1000x128xf32>, vector<128x128xf32>, vector<1000x128xf32> -> vector<1000x128xf32>
    %get3A_29 = arith.constant 0 : index
    %get3A_30 = arith.constant 0 : index
    %get3A_31 = vector.load %arg8[%get3A_29, %get3A_30] : memref<1x128xf32, #tpu.memory_space<vmem>>, vector<1x128xf32>
    %add3A_32 = vector.broadcast %get3A_31 : vector<1x128xf32> to vector<1000x128xf32>
    %add3A_33 = arith.addf %dot_general3A_28, %add3A_32 : vector<1000x128xf32>
    %reduce_sum3A = arith.constant dense<0.000000e+00> : vector<1000xf32>
    %reduce_sum3A_34 = vector.multi_reduction <add>, %add3A_33, %reduce_sum3A [1] : vector<1000x128xf32> to vector<1000xf32>
    %broadcast_in_dim3A = vector.shape_cast %reduce_sum3A_34 : vector<1000xf32> to vector<1000x1xf32>
    %div3A = arith.constant 1.280000e+02 : f32
    %div3A_35 = vector.broadcast %div3A : f32 to vector<1000x1xf32>
    %div3A_36 = arith.divf %broadcast_in_dim3A, %div3A_35 : vector<1000x1xf32>
    %sub3A = vector.broadcast %div3A_36 : vector<1000x1xf32> to vector<1000x128xf32>
    %sub3A_37 = arith.subf %add3A_33, %sub3A : vector<1000x128xf32>
    %mul3A_38 = arith.mulf %sub3A_37, %sub3A_37 : vector<1000x128xf32>
    %reduce_sum3A_39 = arith.constant dense<0.000000e+00> : vector<1000xf32>
    %reduce_sum3A_40 = vector.multi_reduction <add>, %mul3A_38, %reduce_sum3A_39 [1] : vector<1000x128xf32> to vector<1000xf32>
    %broadcast_in_dim3A_41 = vector.shape_cast %reduce_sum3A_40 : vector<1000xf32> to vector<1000x1xf32>
    %div3A_42 = arith.constant 1.280000e+02 : f32
    %div3A_43 = vector.broadcast %div3A_42 : f32 to vector<1000x1xf32>
    %div3A_44 = arith.divf %broadcast_in_dim3A_41, %div3A_43 : vector<1000x1xf32>
    %add3A_45 = arith.constant 9.99999974E-6 : f32
    %add3A_46 = vector.broadcast %add3A_45 : f32 to vector<1000x1xf32>
    %add3A_47 = arith.addf %div3A_44, %add3A_46 : vector<1000x1xf32>
    %rsqrt3A = math.rsqrt %add3A_47 : vector<1000x1xf32>
    %mul3A_48 = vector.broadcast %rsqrt3A : vector<1000x1xf32> to vector<1000x128xf32>
    %mul3A_49 = arith.mulf %sub3A_37, %mul3A_48 : vector<1000x128xf32>
    %get3A_50 = arith.constant 0 : index
    %get3A_51 = arith.constant 0 : index
    %get3A_52 = vector.load %arg9[%get3A_50, %get3A_51] : memref<1x128xf32, #tpu.memory_space<vmem>>, vector<1x128xf32>
    %mul3A_53 = vector.broadcast %get3A_52 : vector<1x128xf32> to vector<1000x128xf32>
    %mul3A_54 = arith.mulf %mul3A_49, %mul3A_53 : vector<1000x128xf32>
    %get3A_55 = arith.constant 0 : index
    %get3A_56 = arith.constant 0 : index
    %get3A_57 = vector.load %arg10[%get3A_55, %get3A_56] : memref<1x128xf32, #tpu.memory_space<vmem>>, vector<1x128xf32>
    %add3A_58 = vector.broadcast %get3A_57 : vector<1x128xf32> to vector<1000x128xf32>
    %add3A_59 = arith.addf %mul3A_54, %add3A_58 : vector<1000x128xf32>
    %swap3A = arith.constant 0 : index
    %swap3A_60 = arith.constant 0 : index
    %swap3A_61 = vector.load %arg11[%swap3A, %swap3A_60] : memref<1000x128xf32, #tpu.memory_space<vmem>>, vector<1000x128xf32>
    tpu.vector_store %arg11[%swap3A, %swap3A_60], %add3A_59 {strides = array<i32>} : memref<1000x128xf32, #tpu.memory_space<vmem>>, vector<1000x128xf32>,
    return
  }
  func.func @transform_0(%arg0: i32) -> (i32, i32) {
    %c0_i32 = arith.constant 0 : i32
    %c0_i32_0 = arith.constant 0 : i32
    %c0_i32_1 = arith.constant 0 : i32
    return %c0_i32, %c0_i32_0 : i32, i32
  }
  func.func @transform_1(%arg0: i32) -> (i32, i32) {
    %c0_i32 = arith.constant 0 : i32
    %c0_i32_0 = arith.constant 0 : i32
    return %arg0, %c0_i32 : i32, i32
  }
  func.func @transform_2(%arg0: i32) -> (i32, i32) {
    %c0_i32 = arith.constant 0 : i32
    %c0_i32_0 = arith.constant 0 : i32
    return %arg0, %c0_i32 : i32, i32
  }
  func.func @transform_3(%arg0: i32) -> (i32, i32) {
    %c0_i32 = arith.constant 0 : i32
    %c0_i32_0 = arith.constant 0 : i32
    return %arg0, %c0_i32 : i32, i32
  }
  func.func @transform_4(%arg0: i32) -> (i32, i32) {
    %c0_i32 = arith.constant 0 : i32
    %c0_i32_0 = arith.constant 0 : i32
    %c0_i32_1 = arith.constant 0 : i32
    return %c0_i32, %c0_i32_0 : i32, i32
  }
  func.func @transform_5(%arg0: i32) -> (i32, i32) {
    %c0_i32 = arith.constant 0 : i32
    %c0_i32_0 = arith.constant 0 : i32
    %c0_i32_1 = arith.constant 0 : i32
    return %c0_i32, %c0_i32_0 : i32, i32
  }
  func.func @transform_6(%arg0: i32) -> (i32, i32) {
    %c0_i32 = arith.constant 0 : i32
    %c0_i32_0 = arith.constant 0 : i32
    %c0_i32_1 = arith.constant 0 : i32
    return %c0_i32, %c0_i32_0 : i32, i32
  }
  func.func @transform_7(%arg0: i32) -> (i32, i32) {
    %c0_i32 = arith.constant 0 : i32
    %c0_i32_0 = arith.constant 0 : i32
    %c0_i32_1 = arith.constant 0 : i32
    return %c0_i32, %c0_i32_0 : i32, i32
  }
  func.func @transform_8(%arg0: i32) -> (i32, i32) {
    %c0_i32 = arith.constant 0 : i32
    %c0_i32_0 = arith.constant 0 : i32
    %c0_i32_1 = arith.constant 0 : i32
    return %c0_i32, %c0_i32_0 : i32, i32
  }
  func.func @transform_9(%arg0: i32) -> (i32, i32) {
    %c0_i32 = arith.constant 0 : i32
    %c0_i32_0 = arith.constant 0 : i32
    %c0_i32_1 = arith.constant 0 : i32
    return %c0_i32, %c0_i32_0 : i32, i32
  }
  func.func @transform_10(%arg0: i32) -> (i32, i32) {
    %c0_i32 = arith.constant 0 : i32
    %c0_i32_0 = arith.constant 0 : i32
    return %arg0, %c0_i32 : i32, i32
  }
}

</mosaic_0001>

<sc_bundles>
// kernel: kernel.4.cloned.1.call-start
scs
__scs_entry_jumppad:
0x0: {  	(pc) =	sbr.rel $0x88, $3  }
0x1: {  	(tag) =	ssettag $0x0;
	lr =	simm.s32 $0x1  }
0x2: {  	[smem:$0x3F98] =	sst lr;
	_ =	strace $0xD0000000  }
0x3: {  	_ = 	snop  }
0x4: {  	_ = 	snop  }
0x5: {  	_ = 	snop  }
0x6: {  	_ = 	snop  }
0x7: {  	_ = 	snop  }
__scs_overlays_trampoline_lowered:
0x8: {  	[smem:$0x3FA7] =	sst s0  }
0x9: {  	[smem:$0x3FA8] =	sst s1  }
0xa: {  	[smem:$0x3FA9] =	sst s2  }
0xb: {  	[smem:$0x3FAA] =	sst s3  }
0xc: {  	[smem:$0x3FAB] =	sst s4  }
0xd: {  	[smem:$0x3FAC] =	sst s5  }
0xe: {  	[smem:$0x3FAD] =	sst s6  }
0xf: {  	[smem:$0x3FAE] =	sst s7  }
0x10: {  	[smem:$0x3FAF] =	sst s8  }
0x11: {  	[smem:$0x3FB0] =	sst s9;
	s0 =	simm.s32 @!p0 $0x0  }
0x12: {  	s1 =	sld [smem:$0x3F96];
	s0 =	simm.s32 @p0 $0x1  }
0x13: {  	[smem:$0x3FB1] =	sst s0;
	s0 =	simm.s32 @!p1 $0x0  }
0x14: {  	s2 =	sld [smem:$0x3F95];
	s0 =	simm.s32 @p1 $0x1  }
0x15: {  	[smem:$0x3FB2] =	sst s0;
	s0 =	simm.s32 @!p2 $0x0  }
0x16: {  	s3 =	sld [smem:$0x3FDB];
	s0 =	simm.s32 @p2 $0x1  }
0x17: {  	s4 =	simm.s32 $0x1BF5;
	[smem:$0x3FB4] =	sst s0  }
0x18: {  	s0 =	sld [smem:$0x3F97];
	_ =	swait.ge [sflag:s4], $0x0  }
0x19: {  	s7 =	sld [smem:$0x3F98]  }
0x1a: {  	s8 =	sadd.s32 $0xFFFFE003, lr  }
0x1b: {  	s9 =	sadd.s32 $0xFFFFFEF7, lr;
	s5 =	simm.s32 $0xFFFFFFFF;
	p2 =	slt.u32 s8, $0xFFFFF086  }
0x1c: {  	p1 =	slt.u32 s9, $0xF7A;
	s5 =	simm.s32 @!p2 $0x0  }
0x1d: {  	s5 =	simm.s32 @p1 $0x1;
	p0 =	seq.s32 s7, s2  }
0x1e: {  	s7 =	smul.u32 @!p0 $0xF7A, s2;
	p2 =	seq.s32 @!p0 s5, $0x0  }
0x1f: {  	s9 =	smul.u32 $0xF7A, s1;
	s8 =	simm.s32 @!p0 $0x1BF5;
	p2 =	por !p2, p0  }
0x20: {  	[sflag:s8] =	ssyncset.s32 @!p0 $0xFFFFF086;
	s6 =	sadd.s32 @!p0 s3, s7;
	s7 =	simm.s32 @!p0 $0x108  }
0x21: {  	s3 =	sadd.s32 s3, s9;
	s6 =	sadd.s32 @!p0 $0x88, s6;
	s7 =	simm.s32 @p2 $0x1082  }
0x22: {  	[simem:s7], [sflag:s8] =	dma.local @!p0 [hbm:s6], $0xF7A  }
0x23: {  	s9 =	sor.u32 $0xD0000000, s2;
	s6 =	simm.s32 $0x108;
	_ =	swait.ge @!p0 [sflag:s8], $0x0  }
0x24: {  	s3 =	sadd.s32 $0x88, s3;
	s6 =	simm.s32 @!p1 $0x1082;
	[sflag:s4] =	ssyncset.s32 $0xFFFFF086  }
0x25: {  	[simem:s6], [sflag:s4] =	dma.local [hbm:s3], $0xF7A  }
0x26: {  	[smem:$0x3F98] =	sst s1;
	(tag) =	ssettag s2;
	_ =	strace s9  }
0x27: {  	s1 =	sld [smem:$0x3FA8]  }
0x28: {  	s2 =	sld [smem:$0x3FA9]  }
0x29: {  	s4 =	sld [smem:$0x3FAB]  }
0x2a: {  	p0 =	seq.s32 s5, $0x0;
	s5 =	sld [smem:$0x3FAC]  }
0x2b: {  	s6 =	sld [smem:$0x3FAD]  }
0x2c: {  	s7 =	sld [smem:$0x3FAE]  }
0x2d: {  	s3 =	simm.s32 $0x108;
	s8 =	sld [smem:$0x3FAF]  }
0x2e: {  	s3 =	simm.s32 @!p0 $0x1082;
	s9 =	sld [smem:$0x3FB0]  }
0x2f: {  	lr =	sadd.s32 s0, s3;
	s0 =	sld [smem:$0x3FA7]  }
0x30: {  	s3 =	sld [smem:$0x3FAA]  }
0x31: {  	[smem:$0x3FB3] =	sst s10  }
0x32: {  	s10 =	sld [smem:$0x3FB1];
	_ =	sdelay $0x3  }
0x33: {  	p0 =	seq.s32 s10, $0x1;
	s10 =	sld [smem:$0x3FB3];
	_ =	sdelay $0x3  }
0x34: {  	[smem:$0x3FB3] =	sst s10  }
0x35: {  	s10 =	sld [smem:$0x3FB2];
	_ =	sdelay $0x3  }
0x36: {  	p1 =	seq.s32 s10, $0x1;
	s10 =	sld [smem:$0x3FB3];
	_ =	sdelay $0x3  }
0x37: {  	[smem:$0x3FB3] =	sst s10  }
0x38: {  	s10 =	sld [smem:$0x3FB4]  }
0x39: {  	_ = 	snop;
	(pc) =	sbr.ind lr, $3  }
0x3a: {  	_ = 	snop  }
0x3b: {  	_ = 	snop  }
0x3c: {  	p2 =	seq.s32 s10, $0x1;
	s10 =	sld [smem:$0x3FB3]  }
0x3d: {  	_ =	shalt  }
0x3e: {  	_ =	shalt  }
0x3f: {  	_ =	shalt  }
0x40: {  	_ =	shalt  }
0x41: {  	_ =	shalt  }
0x42: {  	_ =	shalt  }
0x43: {  	_ =	shalt  }
0x44: {  	_ =	shalt  }
0x45: {  	_ =	shalt  }
0x46: {  	_ =	shalt  }
0x47: {  	_ =	shalt  }
0x48: {  	_ =	shalt  }
0x49: {  	_ =	shalt  }
0x4a: {  	_ =	shalt  }
0x4b: {  	_ =	shalt  }
0x4c: {  	_ =	shalt  }
0x4d: {  	_ =	shalt  }
0x4e: {  	_ =	shalt  }
0x4f: {  	_ =	shalt  }
0x50: {  	_ =	shalt  }
0x51: {  	_ =	shalt  }
0x52: {  	_ =	shalt  }
0x53: {  	_ =	shalt  }
0x54: {  	_ =	shalt  }
0x55: {  	_ =	shalt  }
0x56: {  	_ =	shalt  }
0x57: {  	_ =	shalt  }
0x58: {  	_ =	shalt  }
0x59: {  	_ =	shalt  }
0x5a: {  	_ =	shalt  }
0x5b: {  	_ =	shalt  }
0x5c: {  	_ =	shalt  }
0x5d: {  	_ =	shalt  }
0x5e: {  	_ =	shalt  }
0x5f: {  	_ =	shalt  }
0x60: {  	_ =	shalt  }
0x61: {  	_ =	shalt  }
0x62: {  	_ =	shalt  }
0x63: {  	_ =	shalt  }
0x64: {  	_ =	shalt  }
0x65: {  	_ =	shalt  }
0x66: {  	_ =	shalt  }
0x67: {  	_ =	shalt  }
0x68: {  	_ =	shalt  }
0x69: {  	_ =	shalt  }
0x6a: {  	_ =	shalt  }
0x6b: {  	_ =	shalt  }
0x6c: {  	_ =	shalt  }
0x6d: {  	_ =	shalt  }
0x6e: {  	_ =	shalt  }
0x6f: {  	_ =	shalt  }
0x70: {  	_ =	shalt  }
0x71: {  	_ =	shalt  }
0x72: {  	_ =	shalt  }
0x73: {  	_ =	shalt  }
0x74: {  	_ =	shalt  }
0x75: {  	_ =	shalt  }
0x76: {  	_ =	shalt  }
0x77: {  	_ =	shalt  }
0x78: {  	_ =	shalt  }
0x79: {  	_ =	shalt  }
0x7a: {  	_ =	shalt  }
0x7b: {  	_ =	shalt  }
0x7c: {  	_ =	shalt  }
0x7d: {  	_ =	shalt  }
0x7e: {  	_ =	shalt  }
0x7f: {  	_ =	shalt  }
0x80: {  	_ =	shalt  }
0x81: {  	_ =	shalt  }
0x82: {  	_ =	shalt  }
0x83: {  	_ =	shalt  }
0x84: {  	_ =	shalt  }
0x85: {  	_ =	shalt  }
0x86: {  	_ =	shalt  }
0x87: {  	_ =	shalt  }
.Lfunc_end0:
.L_simem_size_0:
called_computation_lowered:
.L_overlay_start_0:
0x88: {  	s2 =	sld [smem:$0x3FD9]  }
0x89: {  	s3 =	sld [smem:$0x3FFE];
	_ =	sdelay $0x1  }
0x8a: {  	s1 =	srdreg.scid  }
0x8b: {  	s0 =	sand.u32 $0x1, s1  }
0x8c: {  	s17 =	sshll.u32 s0, $0xA;
	s2 =	sadd.s32 s3, s2  }
0x8d: {  	s2 =	sadd.s32 s2, s17  }
0x8e: {  	[smem:$0x3FBF] =	sst s2  }
0x8f: {  	_ = 	snop  }
0x90: {  	s2 =	sld [smem:$0x3FC9]  }
0x91: {  	s18 =	sld [smem:$0x3FD0];
	(tm) =	ssettm $0x1  }
0x92: {  	s4 =	sld [smem:$0x3FFB];
	_ =	sdelay $0x3  }
0x93: {  	_ =	strace s4  }
0x94: {  	s4 =	sld [smem:$0x3FFC];
	_ =	sdelay $0x3  }
0x95: {  	_ =	strace s4  }
0x96: {  	s4 =	sld [smem:$0x3FFD];
	_ =	sdelay $0x3  }
0x97: {  	_ =	strace s4  }
0x98: {  	_ =	strace $0x8FFFFFFF  }
0x99: {  	s19 =	sld [smem:$0x3FDB];
	_ =	sdelay $0x1  }
0x9a: {  	s5 =	simm.s32 $_scs_section_size  }
0x9b: {  	s6 =	simm.s32 $_size__tile_overlayer_lowered;
	s7 =	simm.s32 $_tile_overlayer_lowered  }
0x9c: {  	s22 =	simm.s32 $0x1BFF;
	s21 =	sshll.u32 s7, $0x1;
	s4 =	sadd.s32 s5, s19  }
0x9d: {  	s8 =	simm.s32 $0x0;
	s20 =	sshll.u32 s6, $0x1;
	s6 =	sadd.s32 s21, s4  }
0x9e: {  	[timem:s8], [sflag:s22] =	dma.local [hbm:s6], s20  }
0x9f: {  	_ =	swait.ge [sflag:s22], s20  }
0xa0: {  	s5 =	ssub.s32 $0x0, s20;
	[sflag:s22] =	ssyncset.done $0x0  }
0xa1: {  	[sflag:s22] =	ssyncadd.s32 s5;
	_ =	sdelay $0x1  }
0xa2: {  	s23 =	simm.s32 $0x1B8B  }
0xa3: {  	_ =	swait.ge [sflag:s23], $0x1  }
0xa4: {  	[sflag:s23] =	ssyncset.done $0x0  }
0xa5: {  	s25 =	simm.s32 $0x1B8E;
	s24 =	sld [smem:$0x3FFE];
	[sflag:s23] =	ssyncadd.s32 $0xFFFFFFFF  }
0xa6: {  	s26 =	simm.s32 $execute0_lowered;
	[smem:$0x3FD2] =	sst s25  }
0xa7: {  	s6 =	sshll.u32 s26, $0x1;
	_ =	strace $0x80000046;
	[dreg:$0x1] =	wrdreg $0xFFFFFFFF  }
0xa8: {  	s28 =	simm.s32 $_size_execute0_lowered;
	s4 =	sadd.s32 s4, s6;
	[dreg:$0x0] =	wrdreg $0x0  }
0xa9: {  	s6 =	sshll.u32 s28, $0x1;
	[dreg:$0x2] =	wrdreg s4  }
0xaa: {  	[dreg:$0x3] =	wrdreg s6  }
0xab: {  	[dreg:$0x4] =	wrdreg $0xC0  }
0xac: {  	_ =	task [dreg:s8], $0x5FFFF  }
0xad: {  	[dreg:$0x1] =	wrdreg $0xFFFFFFFF  }
0xae: {  	[dreg:$0x0] =	wrdreg $0x60  }
0xaf: {  	[dreg:$0x2] =	wrdreg s2  }
0xb0: {  	[dreg:$0x3] =	wrdreg s24  }
0xb1: {  	[dreg:$0x4] =	wrdreg s18  }
0xb2: {  	[dreg:$0x5] =	wrdreg $0x0  }
0xb3: {  	[dreg:$0x6] =	wrdreg $0x9  }
0xb4: {  	_ =	task.clear_ibuf [dreg:s8], $0x7FFFF;
	_ =	strace $0x90000046  }
0xb5: {  	s29 =	simm.s32 $0x9;
	_ =	strace $0x80000048  }
0xb6: {  	_ =	swait.ge [sflag:s29], $0x1  }
0xb7: {  	[sflag:s29] =	ssyncadd.s32 $0xFFFFFFFF  }
0xb8: {  	_ =	strace $0x90000048  }
0xb9: {  	_ =	sfence  }
0xba: {  	s30 =	sld [smem:$0x0];
	_ =	sdelay $0x2  }
0xbb: {  	s31 =	sshll.u32 s1, $0xD;
	s1 =	sshrl.u32 s1, $0x2  }
0xbc: {  	s3 =	sand.u32 $0x4000, s31;
	s1 =	sadd.s32 s1, s30  }
0xbd: {  	s0 =	sor.u32 s3, s0;
	s1 =	sshll.u32 s1, $0x11  }
0xbe: {  	s0 =	sor.u32 s1, s0  }
0xbf: {  	s0 =	sadd.s32 $0x8F2B, s0  }
0xc0: {  	[sflag:s0] =	ssyncadd.remote.s32 $0x1  }
0xc1: {  	_ =	sfence.sel $0xFFFF  }
0xc2: {  	[dreg:$0x0] =	wrdreg $0xFFFFFFFF;
	(pc) =	sbr.abs _section_cstart, $3  }
0xc3: {  	[dreg:$0x1] =	wrdreg $0xFFFFFFFF  }
0xc4: {  	_ =	task.clear_ibuf [dreg:s8], $0x2FFFF;
	_ =	strace $0x9FFFFFFF  }
0xc5: {  	(tm) =	ssettm $0x7FFFFFFF  }
tec
execute0_lowered:
.L_overlay_start_1:
0x0: {  	(tag) =	ssettag $0x1  }
0x1: {  	s1 =	rddreg [dreg:$0x0]  }
0x2: {  	s5 =	rddreg [dreg:$0x1]  }
0x3: {  	s7 =	rddreg [dreg:$0x2]  }
0x4: {  	s2 =	srdreg.scid;
	s0 =	stileid.u32  }
0x5: {  	s3 =	rddreg [dreg:$0x3];
	s4 =	simm.s32 $0x0;
	s17 =	simm.s32 $0x13880  }
0x6: {  	s18 =	simm.s32 $0x50;
	s19 =	simm.s32 $0x13980;
	s20 =	simm.s32 $0x1  }
0x7: {  	s6 =	sand.u32 $0x1, s2;
	s8 =	smul.u32 $0x4E20, s0;
	s2 =	rddreg [dreg:$0x4]  }
0x8: {  	s21 =	simm.s32 $0x0;
	[smem:$0x7FF] =	sst s4;
	s10 =	smul.u32 $0x4E000, s0  }
0x9: {  	s11 =	smul.u32 $0x13800, s0;
	s13 =	sadd.s32 $0x14E00, s5;
	s28 =	sshll.u32 s0, $0x6  }
0xa: {  	s16 =	sadd.s32 $0x138000, s3;
	p0 =	sne.s32 s0, $0xF;
	s9 =	smul.u32 $0x2710, s6  }
0xb: {  	_ =	strace $0x80000047;
	s23 =	ssub.s32 $0x2, s6;
	s29 =	smul.u32 $0x138800, s6  }
0xc: {  	s6 =	sor.u32 $0x1C02, s28;
	s24 =	sshrl.u32 s23, $0x1;
	s25 =	sshrl.u32 s10, $0x2  }
0xd: {  	s26 =	sshrl.u32 s11, $0x3;
	s8 =	sadd.s32 s9, s8;
	s14 =	ssub.s32 s23, s24  }
0xe: {  	s15 =	sadd.s32 s25, s3;
	s30 =	sadd.s32 s11, s29;
	s31 =	sshrl.u32 s29, $0x3  }
0xf: {  	s8 =	sshrl.u32 s8, $0x3;
	s9 =	sadd.s32 s13, s31;
	s10 =	smax.u32 s14, $0x1  }
0x10: {  	s14 =	simm.s32 $0x2;
	s12 =	sadd.s32 s8, s5;
	s5 =	sadd.s32 s7, s26  }
0x11: {  	s7 =	sadd.s32 $0x27000, s7;
	s8 =	sshrl.u32 s30, $0x3;
	s9 =	sadd.s32 $0x27000, s9  }
0x12: {  	s8 =	sadd.s32 s13, s8;
	s11 =	sadd.s32 $0xB000, s12;
	s12 =	sadd.s32 $0x1200, s12  }
0x13: {  	s13 =	sshrl.u32 s15, $0x3;
	s15 =	sshrl.u32 @!p0 s16, $0x3;
	s16 =	simm.s32 $0x13900  }
.LBB2_1:
0x14: {  	[spmem:s13], [sflag:s6] =	dma.local [hbm:s5], $0x2700  }
0x15: {  	_ =	swait.ge [sflag:s14], $0x2700  }
0x16: {  	[sflag:s14] =	ssyncset.done $0x0  }
0x17: {  	s22 =	simm.s32 @!p0 $0x2;
	[sflag:s14] =	ssyncadd.s32 $0xFFFFD900  }
0x18: {  	[spmem:s15], [sflag:s6] =	dma.local @!p0 [hbm:s7], $0x100  }
0x19: {  	_ =	swait.ge @!p0 [sflag:s22], $0x100  }
0x1a: {  	[sflag:s22] =	ssyncset.done @!p0 $0x0  }
0x1b: {  	[sflag:s22] =	ssyncadd.s32 @!p0 $0xFFFFFF00  }
0x1c: {  	s30 =	sadd.s32 $0x0, s12;
	[bflag:$0x0] =	sbarrier.arrive $0xFFFF  }
0x1d: {  	[tilespmem:s16], [sflag:$0x2] =	stream.linear.gather [hbm4b:s30+s4], $0x50, $0x38;
	[tilespmem:$0x16180] =	vst v63  }
0x1e: {  	_ =	swait.ge [sflag:s14], $0x50  }
0x1f: {  	[sflag:s14] =	ssyncset.done $0x0  }
0x20: {  	s31 =	sadd.s32 $0x0, s11;
	[sflag:s14] =	ssyncadd.s32 $0xFFFFFFB0  }
0x21: {  	[tilespmem:s17], [sflag:$0x2] =	stream.linear.gather [hbm4b:s31+s4], $0x50, $0x38;
	[tilespmem:$0x16180] =	vst v63  }
0x22: {  	_ =	swait.ge [sflag:s14], $0x50  }
0x23: {  	[sflag:s14] =	ssyncset.done $0x0  }
0x24: {  	[sflag:s14] =	ssyncadd.s32 $0xFFFFFFB0  }
0x25: {  	[tilespmem:s19], [sflag:$0x1] =	stream.indirect.gather [hbm4b:s1+s18], $0x80, s16, s18, $0xb8;
	[tilespmem:$0x16180] =	vst v63  }
0x26: {  	_ =	swait.ge [sflag:s20], $0x2800  }
0x27: {  	[sflag:s20] =	ssyncset.done $0x0  }
0x28: {  	[sflag:s20] =	ssyncadd.s32 $0xFFFFD800  }
0x29: {  	[spmem:s3] =	stream.indirect.scatter.add.f32 [tilespmem:s19], [sflag:$0x2], $0x80, s17, s18, $0xb8;
	[tilespmem:$0x16180] =	vst v63  }
0x2a: {  	_ =	swait.ge [sflag:s14], $0x2800  }
0x2b: {  	s23 =	simm.s32 $0x14;
	s22 =	simm.s32 $0xA;
	[sflag:s14] =	ssyncset.done $0x0  }
.LBB2_2:
0x2c: {  	s24 =	sadd.s32 s22, s12  }
0x2d: {  	[sflag:s14] =	ssyncadd.s32 $0xFFFFD800;
	s25 =	smov.u32 s23;
	s26 =	sadd.s32 $0xA, s23  }
0x2e: {  	[tilespmem:s16], [sflag:$0x2] =	stream.linear.gather [hbm4b:s24+s4], $0x50, $0x38;
	[tilespmem:$0x16180] =	vst v63  }
0x2f: {  	p1 =	sne.s32 s23, $0x4D8;
	_ =	swait.ge [sflag:s14], $0x50  }
0x30: {  	[sflag:s14] =	ssyncset.done $0x0  }
0x31: {  	s23 =	sadd.s32 s22, s11;
	s22 =	smov.u32 s25;
	[sflag:s14] =	ssyncadd.s32 $0xFFFFFFB0  }
0x32: {  	[tilespmem:s17], [sflag:$0x2] =	stream.linear.gather [hbm4b:s23+s4], $0x50, $0x38;
	[tilespmem:$0x16180] =	vst v63  }
0x33: {  	_ =	swait.ge [sflag:s14], $0x50  }
0x34: {  	[sflag:s14] =	ssyncset.done $0x0  }
0x35: {  	[sflag:s14] =	ssyncadd.s32 $0xFFFFFFB0  }
0x36: {  	[tilespmem:s19], [sflag:$0x1] =	stream.indirect.gather [hbm4b:s1+s18], $0x80, s16, s18, $0xb8;
	[tilespmem:$0x16180] =	vst v63  }
0x37: {  	_ =	swait.ge [sflag:s20], $0x2800  }
.Ltmp0:
0x38: {  	[sflag:s20] =	ssyncset.done $0x0;
	(pc) =	sbr.rel @p1 .LBB2_2-.Ltmp0, $4  }
0x39: {  	[sflag:s20] =	ssyncadd.s32 $0xFFFFD800  }
0x3a: {  	[spmem:s3] =	stream.indirect.scatter.add.f32 [tilespmem:s19], [sflag:$0x2], $0x80, s17, s18, $0xb8;
	[tilespmem:$0x16180] =	vst v63  }
0x3b: {  	_ =	swait.ge [sflag:s14], $0x2800  }
0x3c: {  	s23 =	smov.u32 s26;
	[sflag:s14] =	ssyncset.done $0x0  }
0x3d: {  	s23 =	sadd.s32 s22, s12;
	[sflag:s14] =	ssyncadd.s32 $0xFFFFD800  }
0x3e: {  	[tilespmem:s16], [sflag:$0x2] =	stream.linear.gather [hbm4b:s23+s4], $0x50, $0x38;
	[tilespmem:$0x16180] =	vst v63  }
0x3f: {  	_ =	swait.ge [sflag:s14], $0x50  }
0x40: {  	[sflag:s14] =	ssyncset.done $0x0  }
0x41: {  	s31 =	sadd.s32 s22, s11;
	[sflag:s14] =	ssyncadd.s32 $0xFFFFFFB0  }
0x42: {  	[tilespmem:s17], [sflag:$0x2] =	stream.linear.gather [hbm4b:s31+s4], $0x50, $0x38;
	[tilespmem:$0x16180] =	vst v63  }
0x43: {  	_ =	swait.ge [sflag:s14], $0x50  }
0x44: {  	[sflag:s14] =	ssyncset.done $0x0  }
0x45: {  	[sflag:s14] =	ssyncadd.s32 $0xFFFFFFB0  }
0x46: {  	[tilespmem:s19], [sflag:$0x1] =	stream.indirect.gather [hbm4b:s1+s18], $0x80, s16, s18, $0xb8;
	[tilespmem:$0x16180] =	vst v63  }
0x47: {  	_ =	swait.ge [sflag:s20], $0x2800  }
0x48: {  	[sflag:s20] =	ssyncset.done $0x0  }
0x49: {  	[sflag:s20] =	ssyncadd.s32 $0xFFFFD800  }
0x4a: {  	[spmem:s3] =	stream.indirect.scatter.add.f32 [tilespmem:s19], [sflag:$0x2], $0x80, s17, s18, $0xb8;
	[tilespmem:$0x16180] =	vst v63  }
0x4b: {  	_ =	swait.ge [sflag:s14], $0x2800  }
0x4c: {  	[sflag:s14] =	ssyncset.done $0x0  }
0x4d: {  	[sflag:s14] =	ssyncadd.s32 $0xFFFFD800  }
0x4e: {  	[bflag:$0x0] =	sbarrier.arrive $0xFFFF  }
0x4f: {  	[hbm:s8], [sflag:s6] =	dma.local [spmem:s13], $0x2700  }
0x50: {  	s21 =	sadd.s32 $0x1, s21;
	_ =	swait.ge [sflag:s14], $0x2700  }
0x51: {  	p1 =	sne.s32 s21, s10;
	[sflag:s14] =	ssyncset.done $0x0  }
.Ltmp1:
0x52: {  	s22 =	simm.s32 @!p0 $0x2;
	[sflag:s14] =	ssyncadd.s32 $0xFFFFD900;
	(pc) =	sbr.rel @p1 .LBB2_1-.Ltmp1, $4  }
0x53: {  	[hbm:s9], [sflag:s6] =	dma.local @!p0 [spmem:s15], $0x100  }
0x54: {  	_ =	swait.ge @!p0 [sflag:s22], $0x100  }
0x55: {  	[sflag:s22] =	ssyncset.done @!p0 $0x0  }
0x56: {  	[sflag:s22] =	ssyncadd.s32 @!p0 $0xFFFFFF00  }
0x57: {  	_ =	sfence.sel $0x180000  }
0x58: {  	[bflag:$0x0] =	sbarrier.arrive $0xFFFF  }
0x59: {  	p0 =	sne.s32 s0, $0x0;
	_ =	strace $0x90000047  }
0x5a: {  	s0 =	sadd.s32 @!p0 $0x100000, s2;
	[bflag:$0x2] =	sbarrier.arrive $0xFFFF  }
0x5b: {  	[sflag:s0] =	ssyncadd.tile.s32 @!p0 $0x1;
	_ =	shalt  }
.Lfunc_end2:
_tile_overlayer_lowered:
.L_overlay_start_2:
0x5c: {  	(tag) =	ssettag $0x2  }
0x5d: {  	s0 =	rddreg [dreg:$0x0];
	s2 =	stileid.u32  }
0x5e: {  	s1 =	rddreg [dreg:$0x1];
	p0 =	sne.s32 s2, $0x0  }
0x5f: {  	s3 =	rddreg [dreg:$0x2];
	[bflag:$0x3] =	sbarrier.arrive $0xFFFF;
	s2 =	simm.s32 @!p0 $0x1C02  }
0x60: {  	[timem:s3], [sflag:s2] =	dma.local @!p0 [hbm:s0], s1  }
0x61: {  	s0 =	simm.s32 @!p0 $0x2  }
0x62: {  	_ =	swait.ge @!p0 [sflag:s0], s1  }
0x63: {  	s1 =	ssub.s32 @!p0 $0x0, s1;
	[sflag:s0] =	ssyncset.done @!p0 $0x0  }
0x64: {  	[sflag:s0] =	ssyncadd.s32 @!p0 s1  }
0x65: {  	[bflag:$0x3] =	sbarrier.arrive $0xFFFF  }
0x66: {  	_ =	shalt  }

</sc_bundles>
